<compile_context>
chip_gen: v7x
topology: tpu7x:2x2x1
jax: 0.10.2.dev20260603
libtpu: 0.0.44.dev20260713+nightly
codegen_flags: <defaults>
</compile_context>

<pallas_src>
import functools

import jax
import jax.numpy as jnp
import numpy as np
from jax import lax
from jax.experimental import pallas as pl
from jax.experimental.pallas import tpu as pltpu
from jax.experimental.pallas import tpu_sc as plsc

NUM_FIELDS = 26
DEPTH = 1000
BATCH = 4096
OUT_COLS = NUM_FIELDS * DEPTH

NUM_WORKERS = 32
ROWS_PER_WORKER = BATCH // NUM_WORKERS
ROWS_PER_CHUNK = 4
CHUNKS = ROWS_PER_WORKER // ROWS_PER_CHUNK
IDX_PER_WORKER = ROWS_PER_WORKER * NUM_FIELDS
IDX_PER_CHUNK = ROWS_PER_CHUNK * NUM_FIELDS
VECS_PER_CHUNK = (IDX_PER_CHUNK + 15) // 16
CHUNK_WORDS = ROWS_PER_CHUNK * OUT_COLS
TRASH = CHUNK_WORDS
BUF_WORDS = 105088

_jj = np.arange(VECS_PER_CHUNK * 16)
_base = np.where(
    _jj < IDX_PER_CHUNK,
    (_jj // NUM_FIELDS) * OUT_COLS + (_jj % NUM_FIELDS) * DEPTH,
    TRASH,
).astype(np.int32)
_pad_vals = np.arange(16, dtype=np.int32)

_mesh = plsc.VectorSubcoreMesh(core_axis_name="c", subcore_axis_name="s")


@functools.partial(
    pl.kernel,
    mesh=_mesh,
    out_type=jax.ShapeDtypeStruct((BATCH * OUT_COLS,), jnp.float32),
    scratch_types=[
        pltpu.VMEM((IDX_PER_WORKER + 16,), jnp.int32),
        pltpu.VMEM((VECS_PER_CHUNK * 16,), jnp.int32),
        pltpu.VMEM((BUF_WORDS,), jnp.float32),
    ],
    compiler_params=pltpu.CompilerParams(needs_layout_passes=False),
)
def _onehot_sc(fv_hbm, base_hbm, out_hbm, idx_v, base_v, buf_v):
    wid = lax.axis_index("s") * 2 + lax.axis_index("c")

    pltpu.sync_copy(
        fv_hbm.at[pl.ds(wid * IDX_PER_WORKER, IDX_PER_WORKER)],
        idx_v.at[pl.ds(0, IDX_PER_WORKER)],
    )
    pltpu.sync_copy(
        fv_hbm.at[pl.ds(NUM_WORKERS * IDX_PER_WORKER, 16)],
        idx_v.at[pl.ds(IDX_PER_WORKER, 16)],
    )
    pltpu.sync_copy(base_hbm, base_v)

    t16 = idx_v[pl.ds(0, 16)]
    zeros16 = (t16 * 0).astype(jnp.float32)
    ones16 = zeros16 + 1.0

    def _zero(i, _):
        for u in range(8):
            buf_v[pl.ds(i * 128 + u * 16, 16)] = zeros16
        return _

    lax.fori_loop(0, BUF_WORDS // 128, _zero, None)

    def _chunk(c, _):
        jbase = c * IDX_PER_CHUNK
        positions = []
        for k in range(VECS_PER_CHUNK):
            v = idx_v[pl.ds(jbase + k * 16, 16)]
            pos = base_v[pl.ds(k * 16, 16)] + v
            positions.append(pos)
            plsc.store_scatter(buf_v, [pos], ones16)
        pltpu.sync_copy(
            buf_v.at[pl.ds(0, CHUNK_WORDS)],
            out_hbm.at[pl.ds((wid * ROWS_PER_WORKER + c * ROWS_PER_CHUNK) * OUT_COLS,
                             CHUNK_WORDS)],
        )
        for pos in positions:
            plsc.store_scatter(buf_v, [pos], zeros16)
        return _

    lax.fori_loop(0, CHUNKS, _chunk, None)


def kernel(feature_value):
    fv_flat = jnp.concatenate(
        [feature_value.reshape(-1), jnp.asarray(_pad_vals)])
    out = _onehot_sc(fv_flat, jnp.asarray(_base))
    return out.reshape(BATCH, OUT_COLS)

# --- scband reference (transcript-rebuilt; emitter-appended) ---
"""Pipeline reference for scband-one-hot-layer-1228360647194 (READ-ONLY COPY).

The authoritative reference and input builder live on the scoring server;
editing this copy changes nothing except your own understanding.
"""

import jax, jax.numpy as jnp
import numpy as np

# feature_cates_num is a structural constant in the original keras model (list of per-field
# cardinalities passed inside the inputs dict but used as static one_hot depths).
FEATURE_CATES_NUM = [1000] * 26
BATCH = 4096


def setup_inputs(seed: int = 0) -> dict:
    key = jax.random.key(seed)
    feature_value = jax.random.randint(key, (BATCH, len(FEATURE_CATES_NUM)), 0, 1000, dtype=jnp.int32)
    return {"feature_value": feature_value}


def reference(feature_value):
    # Faithful translation of OneHotLayer.call:
    #   for each sparse field i, one-hot encode feature_value[:, i] with depth feature_cates_num[i],
    #   then concat along axis=1.
    outputs = []
    for i in range(len(FEATURE_CATES_NUM)):
        outputs.append(jax.nn.one_hot(feature_value[:, i], FEATURE_CATES_NUM[i], dtype=jnp.float32))
    return jnp.concatenate(outputs, axis=1)

if __name__ == "__main__":
    import jax
    _d = setup_inputs()
    print(jax.jit(kernel)(*tuple(_d.values())))

</pallas_src>

<mosaic_0001>
#map = affine_map<(d0, d1) -> (0)>
module attributes {stable_mosaic.version = 14 : i64} {
  func.func @_onehot_sc(%arg0: i32, %arg1: i32, %arg2: memref<106512xi32, #tpu.memory_space<hbm>>, %arg3: memref<112xi32, #tpu.memory_space<hbm>>, %arg4: memref<106496000xf32, #tpu.memory_space<hbm>>, %arg5: memref<3344xi32, #tpu.memory_space<vmem>>, %arg6: memref<112xi32, #tpu.memory_space<vmem>>, %arg7: memref<105088xf32, #tpu.memory_space<vmem>>) attributes {dimension_semantics = [#tpu.dimension_semantics<core_parallel>, #tpu.dimension_semantics<subcore_parallel>], iteration_bounds = array<i64: 2, 16>, scalar_prefetch = 0 : i64, scratch_operands = 3 : i64, tpu.core_type = #tpu.core_type<sc_vector_subcore>, window_params = [{transform_indices = #map}, {transform_indices = #map}, {transform_indices = #map}]} {
    %mul3A = arith.constant 2 : i32
    %mul3A_0 = arith.muli %arg1, %mul3A : i32
    %add3A = arith.addi %mul3A_0, %arg0 : i32
    %mul3A_1 = arith.constant 3328 : i32
    %mul3A_2 = arith.muli %add3A, %mul3A_1 : i32
    "tpu.region"() ({
      %run_scoped3A = tpu.sem_alloc : memref<!tpu.dma_semaphore, #tpu.memory_space<semaphore_mem>>
      %dma_start3A = arith.constant 0 : i32
      %dma_start3A_19 = tpu.memref_slice %arg5[%dma_start3A] : memref<3344xi32, #tpu.memory_space<vmem>> -> memref<3328xi32, #tpu.memory_space<vmem>>
      %dma_start3A_20 = tpu.memref_slice %arg2[%mul3A_2] : memref<106512xi32, #tpu.memory_space<hbm>> -> memref<3328xi32, #tpu.memory_space<hbm>>
      %dma_start3A_21 = arith.constant 0 : i32
      %dma_start3A_22 = tpu.memref_slice %arg5[%dma_start3A_21] : memref<3344xi32, #tpu.memory_space<vmem>> -> memref<3328xi32, #tpu.memory_space<vmem>>
      %dma_start3A_23 = tpu.memref_slice %arg2[%mul3A_2] : memref<106512xi32, #tpu.memory_space<hbm>> -> memref<3328xi32, #tpu.memory_space<hbm>>
      tpu.enqueue_dma source(%dma_start3A_23 : memref<3328xi32, #tpu.memory_space<hbm>>) target(%dma_start3A_22 : memref<3328xi32, #tpu.memory_space<vmem>>) target_semaphore(%run_scoped3A : memref<!tpu.dma_semaphore, #tpu.memory_space<semaphore_mem>>)
      %dma_wait3A = arith.constant 0 : i32
      %dma_wait3A_24 = tpu.memref_slice %arg5[%dma_wait3A] : memref<3344xi32, #tpu.memory_space<vmem>> -> memref<3328xi32, #tpu.memory_space<vmem>>
      %dma_wait3A_25 = tpu.memref_slice %arg2[%mul3A_2] : memref<106512xi32, #tpu.memory_space<hbm>> -> memref<3328xi32, #tpu.memory_space<hbm>>
      %dma_wait3A_26 = arith.constant 0 : i32
      %dma_wait3A_27 = tpu.memref_slice %arg5[%dma_wait3A_26] : memref<3344xi32, #tpu.memory_space<vmem>> -> memref<3328xi32, #tpu.memory_space<vmem>>
      %dma_wait3A_28 = tpu.memref_slice %arg2[%mul3A_2] : memref<106512xi32, #tpu.memory_space<hbm>> -> memref<3328xi32, #tpu.memory_space<hbm>>
      tpu.wait_dma2 semaphore(%run_scoped3A : memref<!tpu.dma_semaphore, #tpu.memory_space<semaphore_mem>>) src(%dma_wait3A_28 : memref<3328xi32, #tpu.memory_space<hbm>>) dst(%dma_wait3A_27 : memref<3328xi32, #tpu.memory_space<vmem>>)
      tpu.yield
    }) : () -> ()
    "tpu.region"() ({
      %run_scoped3A = tpu.sem_alloc : memref<!tpu.dma_semaphore, #tpu.memory_space<semaphore_mem>>
      %dma_start3A = arith.constant 3328 : i32
      %dma_start3A_19 = tpu.memref_slice %arg5[%dma_start3A] : memref<3344xi32, #tpu.memory_space<vmem>> -> memref<16xi32, #tpu.memory_space<vmem>>
      %dma_start3A_20 = arith.constant 106496 : i32
      %dma_start3A_21 = tpu.memref_slice %arg2[%dma_start3A_20] : memref<106512xi32, #tpu.memory_space<hbm>> -> memref<16xi32, #tpu.memory_space<hbm>>
      %dma_start3A_22 = arith.constant 3328 : i32
      %dma_start3A_23 = tpu.memref_slice %arg5[%dma_start3A_22] : memref<3344xi32, #tpu.memory_space<vmem>> -> memref<16xi32, #tpu.memory_space<vmem>>
      %dma_start3A_24 = arith.constant 106496 : i32
      %dma_start3A_25 = tpu.memref_slice %arg2[%dma_start3A_24] : memref<106512xi32, #tpu.memory_space<hbm>> -> memref<16xi32, #tpu.memory_space<hbm>>
      tpu.enqueue_dma source(%dma_start3A_25 : memref<16xi32, #tpu.memory_space<hbm>>) target(%dma_start3A_23 : memref<16xi32, #tpu.memory_space<vmem>>) target_semaphore(%run_scoped3A : memref<!tpu.dma_semaphore, #tpu.memory_space<semaphore_mem>>)
      %dma_wait3A = arith.constant 3328 : i32
      %dma_wait3A_26 = tpu.memref_slice %arg5[%dma_wait3A] : memref<3344xi32, #tpu.memory_space<vmem>> -> memref<16xi32, #tpu.memory_space<vmem>>
      %dma_wait3A_27 = arith.constant 106496 : i32
      %dma_wait3A_28 = tpu.memref_slice %arg2[%dma_wait3A_27] : memref<106512xi32, #tpu.memory_space<hbm>> -> memref<16xi32, #tpu.memory_space<hbm>>
      %dma_wait3A_29 = arith.constant 3328 : i32
      %dma_wait3A_30 = tpu.memref_slice %arg5[%dma_wait3A_29] : memref<3344xi32, #tpu.memory_space<vmem>> -> memref<16xi32, #tpu.memory_space<vmem>>
      %dma_wait3A_31 = arith.constant 106496 : i32
      %dma_wait3A_32 = tpu.memref_slice %arg2[%dma_wait3A_31] : memref<106512xi32, #tpu.memory_space<hbm>> -> memref<16xi32, #tpu.memory_space<hbm>>
      tpu.wait_dma2 semaphore(%run_scoped3A : memref<!tpu.dma_semaphore, #tpu.memory_space<semaphore_mem>>) src(%dma_wait3A_32 : memref<16xi32, #tpu.memory_space<hbm>>) dst(%dma_wait3A_30 : memref<16xi32, #tpu.memory_space<vmem>>)
      tpu.yield
    }) : () -> ()
    "tpu.region"() ({
      %run_scoped3A = tpu.sem_alloc : memref<!tpu.dma_semaphore, #tpu.memory_space<semaphore_mem>>
      tpu.enqueue_dma source(%arg3 : memref<112xi32, #tpu.memory_space<hbm>>) target(%arg6 : memref<112xi32, #tpu.memory_space<vmem>>) target_semaphore(%run_scoped3A : memref<!tpu.dma_semaphore, #tpu.memory_space<semaphore_mem>>)
      tpu.wait_dma2 semaphore(%run_scoped3A : memref<!tpu.dma_semaphore, #tpu.memory_space<semaphore_mem>>) src(%arg3 : memref<112xi32, #tpu.memory_space<hbm>>) dst(%arg6 : memref<112xi32, #tpu.memory_space<vmem>>)
      tpu.yield
    }) : () -> ()
    %get3A = arith.constant 0 : index
    %get3A_3 = tpu.vector_load %arg5[%get3A] {strides = array<i32>} : memref<3344xi32, #tpu.memory_space<vmem>>, vector<16xi32>,
    %mul3A_4 = arith.constant 0 : i32
    %mul3A_5 = vector.broadcast %mul3A_4 : i32 to vector<16xi32>
    %mul3A_6 = arith.muli %get3A_3, %mul3A_5 : vector<16xi32>
    %convert_element_type3A = arith.sitofp %mul3A_6 : vector<16xi32> to vector<16xf32>
    %add3A_7 = arith.constant 1.000000e+00 : f32
    %add3A_8 = vector.broadcast %add3A_7 : f32 to vector<16xf32>
    %add3A_9 = arith.addf %convert_element_type3A, %add3A_8 : vector<16xf32>
    %scan3A = arith.constant 0 : i32
    %scan3A_10 = arith.constant 821 : i32
    %scan3A_11 = arith.addi %scan3A, %scan3A_10 : i32
    %scan3A_12 = arith.constant 1 : i32
    scf.for %scan3A_19 = %scan3A to %scan3A_11 step %scan3A_12  : i32 {
      %mul3A_20 = arith.constant 128 : i32
      %mul3A_21 = arith.muli %scan3A_19, %mul3A_20 : i32
      %add3A_22 = arith.constant 0 : i32
      %add3A_23 = arith.addi %mul3A_21, %add3A_22 : i32
      %swap3A = arith.index_cast %add3A_23 : i32 to index
      %swap3A_24 = tpu.vector_load %arg7[%swap3A] {strides = array<i32>} : memref<105088xf32, #tpu.memory_space<vmem>>, vector<16xf32>,
      tpu.vector_store %arg7[%swap3A], %convert_element_type3A {strides = array<i32>} : memref<105088xf32, #tpu.memory_space<vmem>>, vector<16xf32>,
      %mul3A_25 = arith.constant 128 : i32
      %mul3A_26 = arith.muli %scan3A_19, %mul3A_25 : i32
      %add3A_27 = arith.constant 16 : i32
      %add3A_28 = arith.addi %mul3A_26, %add3A_27 : i32
      %swap3A_29 = arith.index_cast %add3A_28 : i32 to index
      %swap3A_30 = tpu.vector_load %arg7[%swap3A_29] {strides = array<i32>} : memref<105088xf32, #tpu.memory_space<vmem>>, vector<16xf32>,
      tpu.vector_store %arg7[%swap3A_29], %convert_element_type3A {strides = array<i32>} : memref<105088xf32, #tpu.memory_space<vmem>>, vector<16xf32>,
      %mul3A_31 = arith.constant 128 : i32
      %mul3A_32 = arith.muli %scan3A_19, %mul3A_31 : i32
      %add3A_33 = arith.constant 32 : i32
      %add3A_34 = arith.addi %mul3A_32, %add3A_33 : i32
      %swap3A_35 = arith.index_cast %add3A_34 : i32 to index
      %swap3A_36 = tpu.vector_load %arg7[%swap3A_35] {strides = array<i32>} : memref<105088xf32, #tpu.memory_space<vmem>>, vector<16xf32>,
      tpu.vector_store %arg7[%swap3A_35], %convert_element_type3A {strides = array<i32>} : memref<105088xf32, #tpu.memory_space<vmem>>, vector<16xf32>,
      %mul3A_37 = arith.constant 128 : i32
      %mul3A_38 = arith.muli %scan3A_19, %mul3A_37 : i32
      %add3A_39 = arith.constant 48 : i32
      %add3A_40 = arith.addi %mul3A_38, %add3A_39 : i32
      %swap3A_41 = arith.index_cast %add3A_40 : i32 to index
      %swap3A_42 = tpu.vector_load %arg7[%swap3A_41] {strides = array<i32>} : memref<105088xf32, #tpu.memory_space<vmem>>, vector<16xf32>,
      tpu.vector_store %arg7[%swap3A_41], %convert_element_type3A {strides = array<i32>} : memref<105088xf32, #tpu.memory_space<vmem>>, vector<16xf32>,
      %mul3A_43 = arith.constant 128 : i32
      %mul3A_44 = arith.muli %scan3A_19, %mul3A_43 : i32
      %add3A_45 = arith.constant 64 : i32
      %add3A_46 = arith.addi %mul3A_44, %add3A_45 : i32
      %swap3A_47 = arith.index_cast %add3A_46 : i32 to index
      %swap3A_48 = tpu.vector_load %arg7[%swap3A_47] {strides = array<i32>} : memref<105088xf32, #tpu.memory_space<vmem>>, vector<16xf32>,
      tpu.vector_store %arg7[%swap3A_47], %convert_element_type3A {strides = array<i32>} : memref<105088xf32, #tpu.memory_space<vmem>>, vector<16xf32>,
      %mul3A_49 = arith.constant 128 : i32
      %mul3A_50 = arith.muli %scan3A_19, %mul3A_49 : i32
      %add3A_51 = arith.constant 80 : i32
      %add3A_52 = arith.addi %mul3A_50, %add3A_51 : i32
      %swap3A_53 = arith.index_cast %add3A_52 : i32 to index
      %swap3A_54 = tpu.vector_load %arg7[%swap3A_53] {strides = array<i32>} : memref<105088xf32, #tpu.memory_space<vmem>>, vector<16xf32>,
      tpu.vector_store %arg7[%swap3A_53], %convert_element_type3A {strides = array<i32>} : memref<105088xf32, #tpu.memory_space<vmem>>, vector<16xf32>,
      %mul3A_55 = arith.constant 128 : i32
      %mul3A_56 = arith.muli %scan3A_19, %mul3A_55 : i32
      %add3A_57 = arith.constant 96 : i32
      %add3A_58 = arith.addi %mul3A_56, %add3A_57 : i32
      %swap3A_59 = arith.index_cast %add3A_58 : i32 to index
      %swap3A_60 = tpu.vector_load %arg7[%swap3A_59] {strides = array<i32>} : memref<105088xf32, #tpu.memory_space<vmem>>, vector<16xf32>,
      tpu.vector_store %arg7[%swap3A_59], %convert_element_type3A {strides = array<i32>} : memref<105088xf32, #tpu.memory_space<vmem>>, vector<16xf32>,
      %mul3A_61 = arith.constant 128 : i32
      %mul3A_62 = arith.muli %scan3A_19, %mul3A_61 : i32
      %add3A_63 = arith.constant 112 : i32
      %add3A_64 = arith.addi %mul3A_62, %add3A_63 : i32
      %swap3A_65 = arith.index_cast %add3A_64 : i32 to index
      %swap3A_66 = tpu.vector_load %arg7[%swap3A_65] {strides = array<i32>} : memref<105088xf32, #tpu.memory_space<vmem>>, vector<16xf32>,
      tpu.vector_store %arg7[%swap3A_65], %convert_element_type3A {strides = array<i32>} : memref<105088xf32, #tpu.memory_space<vmem>>, vector<16xf32>,
    }
    %scan3A_13 = arith.constant 821 : i32
    %scan3A_14 = arith.constant 0 : i32
    %scan3A_15 = arith.constant 32 : i32
    %scan3A_16 = arith.addi %scan3A_14, %scan3A_15 : i32
    %scan3A_17 = arith.constant 1 : i32
    scf.for %scan3A_19 = %scan3A_14 to %scan3A_16 step %scan3A_17  : i32 {
      %mul3A_20 = arith.constant 104 : i32
      %mul3A_21 = arith.muli %scan3A_19, %mul3A_20 : i32
      %add3A_22 = arith.constant 0 : i32
      %add3A_23 = arith.addi %mul3A_21, %add3A_22 : i32
      %get3A_24 = arith.index_cast %add3A_23 : i32 to index
      %get3A_25 = tpu.vector_load %arg5[%get3A_24] {strides = array<i32>} : memref<3344xi32, #tpu.memory_space<vmem>>, vector<16xi32>,
      %get3A_26 = arith.constant 0 : index
      %get3A_27 = tpu.vector_load %arg6[%get3A_26] {strides = array<i32>} : memref<112xi32, #tpu.memory_space<vmem>>, vector<16xi32>,
      %add3A_28 = arith.addi %get3A_27, %get3A_25 : vector<16xi32>
      tpu.vector_store_idx %arg7[%add3A_28], %add3A_9 : memref<105088xf32, #tpu.memory_space<vmem>>[vector<16xi32>], vector<16xf32>,
      %add3A_29 = arith.constant 16 : i32
      %add3A_30 = arith.addi %mul3A_21, %add3A_29 : i32
      %get3A_31 = arith.index_cast %add3A_30 : i32 to index
      %get3A_32 = tpu.vector_load %arg5[%get3A_31] {strides = array<i32>} : memref<3344xi32, #tpu.memory_space<vmem>>, vector<16xi32>,
      %get3A_33 = arith.constant 16 : index
      %get3A_34 = tpu.vector_load %arg6[%get3A_33] {strides = array<i32>} : memref<112xi32, #tpu.memory_space<vmem>>, vector<16xi32>,
      %add3A_35 = arith.addi %get3A_34, %get3A_32 : vector<16xi32>
      tpu.vector_store_idx %arg7[%add3A_35], %add3A_9 : memref<105088xf32, #tpu.memory_space<vmem>>[vector<16xi32>], vector<16xf32>,
      %add3A_36 = arith.constant 32 : i32
      %add3A_37 = arith.addi %mul3A_21, %add3A_36 : i32
      %get3A_38 = arith.index_cast %add3A_37 : i32 to index
      %get3A_39 = tpu.vector_load %arg5[%get3A_38] {strides = array<i32>} : memref<3344xi32, #tpu.memory_space<vmem>>, vector<16xi32>,
      %get3A_40 = arith.constant 32 : index
      %get3A_41 = tpu.vector_load %arg6[%get3A_40] {strides = array<i32>} : memref<112xi32, #tpu.memory_space<vmem>>, vector<16xi32>,
      %add3A_42 = arith.addi %get3A_41, %get3A_39 : vector<16xi32>
      tpu.vector_store_idx %arg7[%add3A_42], %add3A_9 : memref<105088xf32, #tpu.memory_space<vmem>>[vector<16xi32>], vector<16xf32>,
      %add3A_43 = arith.constant 48 : i32
      %add3A_44 = arith.addi %mul3A_21, %add3A_43 : i32
      %get3A_45 = arith.index_cast %add3A_44 : i32 to index
      %get3A_46 = tpu.vector_load %arg5[%get3A_45] {strides = array<i32>} : memref<3344xi32, #tpu.memory_space<vmem>>, vector<16xi32>,
      %get3A_47 = arith.constant 48 : index
      %get3A_48 = tpu.vector_load %arg6[%get3A_47] {strides = array<i32>} : memref<112xi32, #tpu.memory_space<vmem>>, vector<16xi32>,
      %add3A_49 = arith.addi %get3A_48, %get3A_46 : vector<16xi32>
      tpu.vector_store_idx %arg7[%add3A_49], %add3A_9 : memref<105088xf32, #tpu.memory_space<vmem>>[vector<16xi32>], vector<16xf32>,
      %add3A_50 = arith.constant 64 : i32
      %add3A_51 = arith.addi %mul3A_21, %add3A_50 : i32
      %get3A_52 = arith.index_cast %add3A_51 : i32 to index
      %get3A_53 = tpu.vector_load %arg5[%get3A_52] {strides = array<i32>} : memref<3344xi32, #tpu.memory_space<vmem>>, vector<16xi32>,
      %get3A_54 = arith.constant 64 : index
      %get3A_55 = tpu.vector_load %arg6[%get3A_54] {strides = array<i32>} : memref<112xi32, #tpu.memory_space<vmem>>, vector<16xi32>,
      %add3A_56 = arith.addi %get3A_55, %get3A_53 : vector<16xi32>
      tpu.vector_store_idx %arg7[%add3A_56], %add3A_9 : memref<105088xf32, #tpu.memory_space<vmem>>[vector<16xi32>], vector<16xf32>,
      %add3A_57 = arith.constant 80 : i32
      %add3A_58 = arith.addi %mul3A_21, %add3A_57 : i32
      %get3A_59 = arith.index_cast %add3A_58 : i32 to index
      %get3A_60 = tpu.vector_load %arg5[%get3A_59] {strides = array<i32>} : memref<3344xi32, #tpu.memory_space<vmem>>, vector<16xi32>,
      %get3A_61 = arith.constant 80 : index
      %get3A_62 = tpu.vector_load %arg6[%get3A_61] {strides = array<i32>} : memref<112xi32, #tpu.memory_space<vmem>>, vector<16xi32>,
      %add3A_63 = arith.addi %get3A_62, %get3A_60 : vector<16xi32>
      tpu.vector_store_idx %arg7[%add3A_63], %add3A_9 : memref<105088xf32, #tpu.memory_space<vmem>>[vector<16xi32>], vector<16xf32>,
      %add3A_64 = arith.constant 96 : i32
      %add3A_65 = arith.addi %mul3A_21, %add3A_64 : i32
      %get3A_66 = arith.index_cast %add3A_65 : i32 to index
      %get3A_67 = tpu.vector_load %arg5[%get3A_66] {strides = array<i32>} : memref<3344xi32, #tpu.memory_space<vmem>>, vector<16xi32>,
      %get3A_68 = arith.constant 96 : index
      %get3A_69 = tpu.vector_load %arg6[%get3A_68] {strides = array<i32>} : memref<112xi32, #tpu.memory_space<vmem>>, vector<16xi32>,
      %add3A_70 = arith.addi %get3A_69, %get3A_67 : vector<16xi32>
      tpu.vector_store_idx %arg7[%add3A_70], %add3A_9 : memref<105088xf32, #tpu.memory_space<vmem>>[vector<16xi32>], vector<16xf32>,
      %mul3A_71 = arith.constant 128 : i32
      %mul3A_72 = arith.muli %add3A, %mul3A_71 : i32
      %mul3A_73 = arith.constant 4 : i32
      %mul3A_74 = arith.muli %scan3A_19, %mul3A_73 : i32
      %add3A_75 = arith.addi %mul3A_72, %mul3A_74 : i32
      %mul3A_76 = arith.constant 26000 : i32
      %mul3A_77 = arith.muli %add3A_75, %mul3A_76 : i32
      "tpu.region"() ({
        %run_scoped3A = tpu.sem_alloc : memref<!tpu.dma_semaphore, #tpu.memory_space<semaphore_mem>>
        %dma_start3A = arith.constant 0 : i32
        %dma_start3A_78 = tpu.memref_slice %arg7[%dma_start3A] : memref<105088xf32, #tpu.memory_space<vmem>> -> memref<104000xf32, #tpu.memory_space<vmem>>
        %dma_start3A_79 = tpu.memref_slice %arg4[%mul3A_77] : memref<106496000xf32, #tpu.memory_space<hbm>> -> memref<104000xf32, #tpu.memory_space<hbm>>
        %dma_start3A_80 = tpu.memref_slice %arg4[%mul3A_77] : memref<106496000xf32, #tpu.memory_space<hbm>> -> memref<104000xf32, #tpu.memory_space<hbm>>
        %dma_start3A_81 = arith.constant 0 : i32
        %dma_start3A_82 = tpu.memref_slice %arg7[%dma_start3A_81] : memref<105088xf32, #tpu.memory_space<vmem>> -> memref<104000xf32, #tpu.memory_space<vmem>>
        tpu.enqueue_dma source(%dma_start3A_82 : memref<104000xf32, #tpu.memory_space<vmem>>) target(%dma_start3A_80 : memref<104000xf32, #tpu.memory_space<hbm>>) target_semaphore(%run_scoped3A : memref<!tpu.dma_semaphore, #tpu.memory_space<semaphore_mem>>)
        %dma_wait3A = arith.constant 0 : i32
        %dma_wait3A_83 = tpu.memref_slice %arg7[%dma_wait3A] : memref<105088xf32, #tpu.memory_space<vmem>> -> memref<104000xf32, #tpu.memory_space<vmem>>
        %dma_wait3A_84 = tpu.memref_slice %arg4[%mul3A_77] : memref<106496000xf32, #tpu.memory_space<hbm>> -> memref<104000xf32, #tpu.memory_space<hbm>>
        %dma_wait3A_85 = tpu.memref_slice %arg4[%mul3A_77] : memref<106496000xf32, #tpu.memory_space<hbm>> -> memref<104000xf32, #tpu.memory_space<hbm>>
        %dma_wait3A_86 = arith.constant 0 : i32
        %dma_wait3A_87 = tpu.memref_slice %arg7[%dma_wait3A_86] : memref<105088xf32, #tpu.memory_space<vmem>> -> memref<104000xf32, #tpu.memory_space<vmem>>
        tpu.wait_dma2 semaphore(%run_scoped3A : memref<!tpu.dma_semaphore, #tpu.memory_space<semaphore_mem>>) src(%dma_wait3A_87 : memref<104000xf32, #tpu.memory_space<vmem>>) dst(%dma_wait3A_85 : memref<104000xf32, #tpu.memory_space<hbm>>)
        tpu.yield
      }) : () -> ()
      tpu.vector_store_idx %arg7[%add3A_28], %convert_element_type3A : memref<105088xf32, #tpu.memory_space<vmem>>[vector<16xi32>], vector<16xf32>,
      tpu.vector_store_idx %arg7[%add3A_35], %convert_element_type3A : memref<105088xf32, #tpu.memory_space<vmem>>[vector<16xi32>], vector<16xf32>,
      tpu.vector_store_idx %arg7[%add3A_42], %convert_element_type3A : memref<105088xf32, #tpu.memory_space<vmem>>[vector<16xi32>], vector<16xf32>,
      tpu.vector_store_idx %arg7[%add3A_49], %convert_element_type3A : memref<105088xf32, #tpu.memory_space<vmem>>[vector<16xi32>], vector<16xf32>,
      tpu.vector_store_idx %arg7[%add3A_56], %convert_element_type3A : memref<105088xf32, #tpu.memory_space<vmem>>[vector<16xi32>], vector<16xf32>,
      tpu.vector_store_idx %arg7[%add3A_63], %convert_element_type3A : memref<105088xf32, #tpu.memory_space<vmem>>[vector<16xi32>], vector<16xf32>,
      tpu.vector_store_idx %arg7[%add3A_70], %convert_element_type3A : memref<105088xf32, #tpu.memory_space<vmem>>[vector<16xi32>], vector<16xf32>,
    }
    %scan3A_18 = arith.constant 32 : i32
    return
  }
}

</mosaic_0001>

<sc_bundles>
// kernel: kernel.3.cloned.1.call-start
scs
__scs_entry_jumppad:
0x0: {  	(pc) =	sbr.rel $0x88, $3  }
0x1: {  	(tag) =	ssettag $0x0;
	lr =	simm.s32 $0x1  }
0x2: {  	[smem:$0x3FA0] =	sst lr;
	_ =	strace $0xD0000000  }
0x3: {  	_ = 	snop  }
0x4: {  	_ = 	snop  }
0x5: {  	_ = 	snop  }
0x6: {  	_ = 	snop  }
0x7: {  	_ = 	snop  }
__scs_overlays_trampoline_lowered:
0x8: {  	[smem:$0x3FAF] =	sst s0  }
0x9: {  	[smem:$0x3FB0] =	sst s1  }
0xa: {  	[smem:$0x3FB1] =	sst s2  }
0xb: {  	[smem:$0x3FB2] =	sst s3  }
0xc: {  	[smem:$0x3FB3] =	sst s4  }
0xd: {  	[smem:$0x3FB4] =	sst s5  }
0xe: {  	[smem:$0x3FB5] =	sst s6  }
0xf: {  	[smem:$0x3FB6] =	sst s7  }
0x10: {  	[smem:$0x3FB7] =	sst s8  }
0x11: {  	[smem:$0x3FB8] =	sst s9;
	s0 =	simm.s32 @!p0 $0x0  }
0x12: {  	s1 =	sld [smem:$0x3F9E];
	s0 =	simm.s32 @p0 $0x1  }
0x13: {  	[smem:$0x3FB9] =	sst s0;
	s0 =	simm.s32 @!p1 $0x0  }
0x14: {  	s2 =	sld [smem:$0x3F9D];
	s0 =	simm.s32 @p1 $0x1  }
0x15: {  	[smem:$0x3FBA] =	sst s0;
	s0 =	simm.s32 @!p2 $0x0  }
0x16: {  	s3 =	sld [smem:$0x3FDB];
	s0 =	simm.s32 @p2 $0x1  }
0x17: {  	s4 =	simm.s32 $0x1BF5;
	[smem:$0x3FBC] =	sst s0  }
0x18: {  	s0 =	sld [smem:$0x3F9F];
	_ =	swait.ge [sflag:s4], $0x0  }
0x19: {  	s7 =	sld [smem:$0x3FA0]  }
0x1a: {  	s8 =	sadd.s32 $0xFFFFE003, lr  }
0x1b: {  	s9 =	sadd.s32 $0xFFFFFEF7, lr;
	s5 =	simm.s32 $0xFFFFFFFF;
	p2 =	slt.u32 s8, $0xFFFFF086  }
0x1c: {  	p1 =	slt.u32 s9, $0xF7A;
	s5 =	simm.s32 @!p2 $0x0  }
0x1d: {  	s5 =	simm.s32 @p1 $0x1;
	p0 =	seq.s32 s7, s2  }
0x1e: {  	s7 =	smul.u32 @!p0 $0xF7A, s2;
	p2 =	seq.s32 @!p0 s5, $0x0  }
0x1f: {  	s9 =	smul.u32 $0xF7A, s1;
	s8 =	simm.s32 @!p0 $0x1BF5;
	p2 =	por !p2, p0  }
0x20: {  	[sflag:s8] =	ssyncset.s32 @!p0 $0xFFFFF086;
	s6 =	sadd.s32 @!p0 s3, s7;
	s7 =	simm.s32 @!p0 $0x108  }
0x21: {  	s3 =	sadd.s32 s3, s9;
	s6 =	sadd.s32 @!p0 $0x88, s6;
	s7 =	simm.s32 @p2 $0x1082  }
0x22: {  	[simem:s7], [sflag:s8] =	dma.local @!p0 [hbm:s6], $0xF7A  }
0x23: {  	s9 =	sor.u32 $0xD0000000, s2;
	s6 =	simm.s32 $0x108;
	_ =	swait.ge @!p0 [sflag:s8], $0x0  }
0x24: {  	s3 =	sadd.s32 $0x88, s3;
	s6 =	simm.s32 @!p1 $0x1082;
	[sflag:s4] =	ssyncset.s32 $0xFFFFF086  }
0x25: {  	[simem:s6], [sflag:s4] =	dma.local [hbm:s3], $0xF7A  }
0x26: {  	[smem:$0x3FA0] =	sst s1;
	(tag) =	ssettag s2;
	_ =	strace s9  }
0x27: {  	s1 =	sld [smem:$0x3FB0]  }
0x28: {  	s2 =	sld [smem:$0x3FB1]  }
0x29: {  	s4 =	sld [smem:$0x3FB3]  }
0x2a: {  	p0 =	seq.s32 s5, $0x0;
	s5 =	sld [smem:$0x3FB4]  }
0x2b: {  	s6 =	sld [smem:$0x3FB5]  }
0x2c: {  	s7 =	sld [smem:$0x3FB6]  }
0x2d: {  	s3 =	simm.s32 $0x108;
	s8 =	sld [smem:$0x3FB7]  }
0x2e: {  	s3 =	simm.s32 @!p0 $0x1082;
	s9 =	sld [smem:$0x3FB8]  }
0x2f: {  	lr =	sadd.s32 s0, s3;
	s0 =	sld [smem:$0x3FAF]  }
0x30: {  	s3 =	sld [smem:$0x3FB2]  }
0x31: {  	[smem:$0x3FBB] =	sst s10  }
0x32: {  	s10 =	sld [smem:$0x3FB9];
	_ =	sdelay $0x3  }
0x33: {  	p0 =	seq.s32 s10, $0x1;
	s10 =	sld [smem:$0x3FBB];
	_ =	sdelay $0x3  }
0x34: {  	[smem:$0x3FBB] =	sst s10  }
0x35: {  	s10 =	sld [smem:$0x3FBA];
	_ =	sdelay $0x3  }
0x36: {  	p1 =	seq.s32 s10, $0x1;
	s10 =	sld [smem:$0x3FBB];
	_ =	sdelay $0x3  }
0x37: {  	[smem:$0x3FBB] =	sst s10  }
0x38: {  	s10 =	sld [smem:$0x3FBC]  }
0x39: {  	_ = 	snop;
	(pc) =	sbr.ind lr, $3  }
0x3a: {  	_ = 	snop  }
0x3b: {  	_ = 	snop  }
0x3c: {  	p2 =	seq.s32 s10, $0x1;
	s10 =	sld [smem:$0x3FBB]  }
0x3d: {  	_ =	shalt  }
0x3e: {  	_ =	shalt  }
0x3f: {  	_ =	shalt  }
0x40: {  	_ =	shalt  }
0x41: {  	_ =	shalt  }
0x42: {  	_ =	shalt  }
0x43: {  	_ =	shalt  }
0x44: {  	_ =	shalt  }
0x45: {  	_ =	shalt  }
0x46: {  	_ =	shalt  }
0x47: {  	_ =	shalt  }
0x48: {  	_ =	shalt  }
0x49: {  	_ =	shalt  }
0x4a: {  	_ =	shalt  }
0x4b: {  	_ =	shalt  }
0x4c: {  	_ =	shalt  }
0x4d: {  	_ =	shalt  }
0x4e: {  	_ =	shalt  }
0x4f: {  	_ =	shalt  }
0x50: {  	_ =	shalt  }
0x51: {  	_ =	shalt  }
0x52: {  	_ =	shalt  }
0x53: {  	_ =	shalt  }
0x54: {  	_ =	shalt  }
0x55: {  	_ =	shalt  }
0x56: {  	_ =	shalt  }
0x57: {  	_ =	shalt  }
0x58: {  	_ =	shalt  }
0x59: {  	_ =	shalt  }
0x5a: {  	_ =	shalt  }
0x5b: {  	_ =	shalt  }
0x5c: {  	_ =	shalt  }
0x5d: {  	_ =	shalt  }
0x5e: {  	_ =	shalt  }
0x5f: {  	_ =	shalt  }
0x60: {  	_ =	shalt  }
0x61: {  	_ =	shalt  }
0x62: {  	_ =	shalt  }
0x63: {  	_ =	shalt  }
0x64: {  	_ =	shalt  }
0x65: {  	_ =	shalt  }
0x66: {  	_ =	shalt  }
0x67: {  	_ =	shalt  }
0x68: {  	_ =	shalt  }
0x69: {  	_ =	shalt  }
0x6a: {  	_ =	shalt  }
0x6b: {  	_ =	shalt  }
0x6c: {  	_ =	shalt  }
0x6d: {  	_ =	shalt  }
0x6e: {  	_ =	shalt  }
0x6f: {  	_ =	shalt  }
0x70: {  	_ =	shalt  }
0x71: {  	_ =	shalt  }
0x72: {  	_ =	shalt  }
0x73: {  	_ =	shalt  }
0x74: {  	_ =	shalt  }
0x75: {  	_ =	shalt  }
0x76: {  	_ =	shalt  }
0x77: {  	_ =	shalt  }
0x78: {  	_ =	shalt  }
0x79: {  	_ =	shalt  }
0x7a: {  	_ =	shalt  }
0x7b: {  	_ =	shalt  }
0x7c: {  	_ =	shalt  }
0x7d: {  	_ =	shalt  }
0x7e: {  	_ =	shalt  }
0x7f: {  	_ =	shalt  }
0x80: {  	_ =	shalt  }
0x81: {  	_ =	shalt  }
0x82: {  	_ =	shalt  }
0x83: {  	_ =	shalt  }
0x84: {  	_ =	shalt  }
0x85: {  	_ =	shalt  }
0x86: {  	_ =	shalt  }
0x87: {  	_ =	shalt  }
.Lfunc_end0:
.L_simem_size_0:
called_computation.1_lowered:
.L_overlay_start_0:
0x88: {  	s2 =	sld [smem:$0x3FD9]  }
0x89: {  	s3 =	sld [smem:$0x3FFE];
	_ =	sdelay $0x1  }
0x8a: {  	s1 =	srdreg.scid  }
0x8b: {  	s0 =	sand.u32 $0x1, s1  }
0x8c: {  	s17 =	sshll.u32 s0, $0xA;
	s2 =	sadd.s32 s3, s2  }
0x8d: {  	s2 =	sadd.s32 s2, s17  }
0x8e: {  	[smem:$0x3FC7] =	sst s2  }
0x8f: {  	_ = 	snop  }
0x90: {  	s2 =	sld [smem:$0x3FD0];
	(tm) =	ssettm $0x1  }
0x91: {  	s18 =	sld [smem:$0x3FFB];
	_ =	sdelay $0x3  }
0x92: {  	_ =	strace s18  }
0x93: {  	s3 =	sld [smem:$0x3FFC];
	_ =	sdelay $0x3  }
0x94: {  	_ =	strace s3  }
0x95: {  	s3 =	sld [smem:$0x3FFD];
	_ =	sdelay $0x3  }
0x96: {  	_ =	strace s3  }
0x97: {  	_ =	strace $0x8FFFFFFF  }
0x98: {  	s19 =	sld [smem:$0x3FDB];
	_ =	sdelay $0x1  }
0x99: {  	s4 =	simm.s32 $_scs_section_size  }
0x9a: {  	s5 =	simm.s32 $_size__tile_overlayer_lowered;
	s6 =	simm.s32 $_tile_overlayer_lowered  }
0x9b: {  	s22 =	simm.s32 $0x1BFF;
	s21 =	sshll.u32 s6, $0x1;
	s3 =	sadd.s32 s4, s19  }
0x9c: {  	s7 =	simm.s32 $0x0;
	s20 =	sshll.u32 s5, $0x1;
	s5 =	sadd.s32 s21, s3  }
0x9d: {  	[timem:s7], [sflag:s22] =	dma.local [hbm:s5], s20  }
0x9e: {  	_ =	swait.ge [sflag:s22], s20  }
0x9f: {  	s4 =	ssub.s32 $0x0, s20;
	[sflag:s22] =	ssyncset.done $0x0  }
0xa0: {  	[sflag:s22] =	ssyncadd.s32 s4;
	_ =	sdelay $0x1  }
0xa1: {  	s23 =	simm.s32 $0x1B8B  }
0xa2: {  	_ =	swait.ge [sflag:s23], $0x1  }
0xa3: {  	[sflag:s23] =	ssyncset.done $0x0  }
0xa4: {  	s25 =	simm.s32 $0x1B8E;
	s24 =	sld [smem:$0x3FFE];
	[sflag:s23] =	ssyncadd.s32 $0xFFFFFFFF  }
0xa5: {  	s26 =	simm.s32 $execute0_lowered;
	[smem:$0x3FD2] =	sst s25  }
0xa6: {  	s5 =	sshll.u32 s26, $0x1;
	_ =	strace $0x80000046;
	[dreg:$0x1] =	wrdreg $0xFFFFFFFF  }
0xa7: {  	s28 =	simm.s32 $_size_execute0_lowered;
	s3 =	sadd.s32 s3, s5;
	[dreg:$0x0] =	wrdreg $0x0  }
0xa8: {  	s5 =	sshll.u32 s28, $0x1;
	[dreg:$0x2] =	wrdreg s3  }
0xa9: {  	[dreg:$0x3] =	wrdreg s5  }
0xaa: {  	[dreg:$0x4] =	wrdreg $0xC0  }
0xab: {  	_ =	task [dreg:s7], $0x5FFFF  }
0xac: {  	[dreg:$0x1] =	wrdreg $0xFFFFFFFF  }
0xad: {  	[dreg:$0x0] =	wrdreg $0x60  }
0xae: {  	[dreg:$0x2] =	wrdreg s24  }
0xaf: {  	[dreg:$0x3] =	wrdreg s2  }
0xb0: {  	[dreg:$0x4] =	wrdreg $0x9  }
0xb1: {  	_ =	task.clear_ibuf [dreg:s7], $0x5FFFF;
	_ =	strace $0x90000046  }
0xb2: {  	s29 =	simm.s32 $0x9;
	_ =	strace $0x80000048  }
0xb3: {  	_ =	swait.ge [sflag:s29], $0x1  }
0xb4: {  	[sflag:s29] =	ssyncadd.s32 $0xFFFFFFFF  }
0xb5: {  	_ =	strace $0x90000048  }
0xb6: {  	_ =	sfence  }
0xb7: {  	s30 =	sld [smem:$0x0];
	_ =	sdelay $0x2  }
0xb8: {  	s31 =	sshll.u32 s1, $0xD;
	s1 =	sshrl.u32 s1, $0x2  }
0xb9: {  	s3 =	sand.u32 $0x4000, s31;
	s1 =	sadd.s32 s1, s30  }
0xba: {  	s0 =	sor.u32 s3, s0;
	s1 =	sshll.u32 s1, $0x11  }
0xbb: {  	s0 =	sor.u32 s1, s0  }
0xbc: {  	s0 =	sadd.s32 $0x8F2B, s0  }
0xbd: {  	[sflag:s0] =	ssyncadd.remote.s32 $0x1  }
0xbe: {  	_ =	sfence.sel $0xFFFF  }
0xbf: {  	[dreg:$0x0] =	wrdreg $0xFFFFFFFF;
	(pc) =	sbr.abs _section_cstart, $3  }
0xc0: {  	[dreg:$0x1] =	wrdreg $0xFFFFFFFF  }
0xc1: {  	_ =	task.clear_ibuf [dreg:s7], $0x2FFFF;
	_ =	strace $0x9FFFFFFF  }
0xc2: {  	(tm) =	ssettm $0x7FFFFFFF  }
0xc3: {  	_ =	shalt  }
tec
execute0_lowered:
.L_overlay_start_1:
0x0: {  	(tag) =	ssettag $0x1  }
0x1: {  	s1 =	srdreg.scid;
	s5 =	rddreg [dreg:$0x0]  }
0x2: {  	s0 =	stileid.u32;
	s7 =	rddreg [dreg:$0x1];
	s2 =	simm.s32 $0x0  }
0x3: {  	s11 =	simm.s32 $0xE00;
	s12 =	simm.s32 $0x0;
	s6 =	sand.u32 $0x1, s1  }
0x4: {  	s30 =	sshll.u32 s0, $0x1;
	s1 =	rddreg [dreg:$0x2];
	s10 =	smul.u32 $0xCB200, s0  }
0x5: {  	[smem:$0x7FF] =	sst s2;
	s3 =	sor.u32 s6, s30;
	s31 =	smul.u32 $0x65900, s6  }
0x6: {  	_ =	strace $0x80000047;
	s8 =	ssub.s32 $0x2, s6;
	s3 =	smul.u32 $0x1A0, s3  }
0x7: {  	s9 =	sshrl.u32 s8, $0x1;
	s7 =	sadd.s32 s10, s7;
	s10 =	simm.s32 $0xD80  }
0x8: {  	s8 =	ssub.s32 s8, s9;
	s7 =	sadd.s32 s31, s7;
	s9 =	simm.s32 $0xD00  }
0x9: {  	s4 =	sadd.s32 s3, s5;
	s3 =	sadd.s32 $0x3E00, s5;
	s5 =	sadd.s32 $0x3C00, s5  }
0xa: {  	v0 =	vimm.f32 $0.0e+00;
	v1 =	vimm.f32 $1.000000000e+00;
	s6 =	smax.u32 s8, $0x1;
	s8 =	simm.s32 $0x1;
	s4 =	sadd.s32 $0x800, s4  }
.LBB2_1:
0xb: {  	[tilespmem:s2], [sflag:$0x1] =	stream.linear.gather [hbm4b:s4+s2], $0xD00, $0x38;
	[tilespmem:$0x1A880] =	vst v63  }
0xc: {  	_ =	swait.ge [sflag:s8], $0xD00  }
0xd: {  	[sflag:s8] =	ssyncset.done $0x0  }
0xe: {  	[sflag:s8] =	ssyncadd.s32 $0xFFFFF300  }
0xf: {  	[tilespmem:s9], [sflag:$0x1] =	stream.linear.gather [hbm4b:s5+s2], $0x10, $0x38;
	[tilespmem:$0x1A880] =	vst v63  }
0x10: {  	_ =	swait.ge [sflag:s8], $0x10  }
0x11: {  	[sflag:s8] =	ssyncset.done $0x0  }
0x12: {  	[sflag:s8] =	ssyncadd.s32 $0xFFFFFFF0  }
0x13: {  	[tilespmem:s10], [sflag:$0x1] =	stream.linear.gather [hbm4b:s3+s2], $0x80, $0x38;
	[tilespmem:$0x1A880] =	vst v63  }
0x14: {  	_ =	swait.ge [sflag:s8], $0x80  }
0x15: {  	[sflag:s8] =	ssyncset.done $0x0  }
0x16: {  	s13 =	simm.s32 $0x0;
	s14 =	simm.s32 $0x200;
	[sflag:s8] =	ssyncadd.s32 $0xFFFFFF80  }
.LBB2_2:
0x17: {  	p0 =	sne.s32 s14, $0x66800;
	[tilespmem:s13+$0xE70] =	vst v0  }
0x18: {  	[tilespmem:s13+$0xE00] =	vst v0  }
0x19: {  	[tilespmem:s13+$0xE10] =	vst v0  }
.Ltmp0:
0x1a: {  	[tilespmem:s13+$0xE20] =	vst v0;
	(pc) =	sbr.rel @p0 .LBB2_2-.Ltmp0, $4  }
0x1b: {  	[tilespmem:s13+$0xE30] =	vst v0  }
0x1c: {  	[tilespmem:s13+$0xE40] =	vst v0  }
0x1d: {  	[tilespmem:s13+$0xE50] =	vst v0  }
0x1e: {  	[tilespmem:s13+$0xE60] =	vst v0;
	s13 =	sshra.s32 s14, $0x2;
	s14 =	sadd.s32 $0x200, s14  }
0x1f: {  	[tilespmem:s13+$0xE70] =	vst v0  }
0x20: {  	[tilespmem:s13+$0xE00] =	vst v0  }
0x21: {  	[tilespmem:s13+$0xE10] =	vst v0  }
0x22: {  	[tilespmem:s13+$0xE20] =	vst v0  }
0x23: {  	[tilespmem:s13+$0xE30] =	vst v0  }
0x24: {  	[tilespmem:s13+$0xE40] =	vst v0  }
0x25: {  	[tilespmem:s13+$0xE50] =	vst v0  }
0x26: {  	[tilespmem:s13+$0xE60] =	vst v0;
	s13 =	simm.s32 $0x0;
	s14 =	simm.s32 $0x30  }
.LBB2_4:
0x27: {  	v2 =	vld [tilespmem:s14+$0xFFFFFFD0]  }
0x28: {  	v3 =	vld [tilespmem:$0xD80];
	_ =	sdelay $0x4  }
0x29: {  	v2 =	vadd.s32 v2, v3;
	_ =	sdelay $0x4  }
0x2a: {  	[tilespmem:v2+s11+$0x0] =	vst.idx.msk $0xffff, v1  }
0x2b: {  	v3 =	vld [tilespmem:s14+$0xFFFFFFE0]  }
0x2c: {  	v4 =	vld [tilespmem:$0xD90];
	_ =	sdelay $0x4  }
0x2d: {  	v3 =	vadd.s32 v3, v4;
	_ =	sdelay $0x4  }
0x2e: {  	[tilespmem:v3+s11+$0x0] =	vst.idx.msk $0xffff, v1  }
0x2f: {  	v59 =	vld [tilespmem:s14+$0xFFFFFFF0]  }
0x30: {  	v5 =	vld [tilespmem:$0xDA0];
	_ =	sdelay $0x4  }
0x31: {  	v4 =	vadd.s32 v59, v5;
	_ =	sdelay $0x4  }
0x32: {  	[tilespmem:v4+s11+$0x0] =	vst.idx.msk $0xffff, v1  }
0x33: {  	v60 =	vld [tilespmem:s14+$0x0]  }
0x34: {  	v6 =	vld [tilespmem:$0xDB0];
	_ =	sdelay $0x4  }
0x35: {  	v5 =	vadd.s32 v60, v6;
	_ =	sdelay $0x4  }
0x36: {  	[tilespmem:v5+s11+$0x0] =	vst.idx.msk $0xffff, v1  }
0x37: {  	v61 =	vld [tilespmem:s14+$0x10]  }
0x38: {  	v7 =	vld [tilespmem:$0xDC0];
	_ =	sdelay $0x4  }
0x39: {  	v6 =	vadd.s32 v61, v7;
	_ =	sdelay $0x4  }
0x3a: {  	[tilespmem:v6+s11+$0x0] =	vst.idx.msk $0xffff, v1  }
0x3b: {  	v62 =	vld [tilespmem:s14+$0x20]  }
0x3c: {  	v8 =	vld [tilespmem:$0xDD0];
	_ =	sdelay $0x4  }
0x3d: {  	v7 =	vadd.s32 v62, v8;
	_ =	sdelay $0x4  }
0x3e: {  	[tilespmem:v7+s11+$0x0] =	vst.idx.msk $0xffff, v1  }
0x3f: {  	v63 =	vld [tilespmem:s14+$0x30]  }
0x40: {  	v9 =	vld [tilespmem:$0xDE0];
	_ =	sdelay $0x4  }
0x41: {  	v8 =	vadd.s32 v63, v9;
	_ =	sdelay $0x4  }
0x42: {  	s15 =	sadd.s32 s13, s7;
	[tilespmem:v8+s11+$0x0] =	vst.idx.msk $0xffff, v1  }
0x43: {  	[hbm4b:s15+s2] =	stream.linear.scatter [tilespmem:s11], [sflag:$0x1], $0x19640, $0x38;
	[tilespmem:$0x1A880] =	vst v63  }
0x44: {  	_ =	swait.ge [sflag:s8], $0x19640  }
0x45: {  	[sflag:s8] =	ssyncset.done $0x0  }
0x46: {  	[sflag:s8] =	ssyncadd.s32 $0xFFFE69C0  }
0x47: {  	[tilespmem:v2+s11+$0x0] =	vst.idx.msk $0xffff, v0  }
0x48: {  	p0 =	sne.s32 s13, $0x62638;
	[tilespmem:v3+s11+$0x0] =	vst.idx.msk $0xffff, v0  }
.Ltmp1:
0x49: {  	[tilespmem:v4+s11+$0x0] =	vst.idx.msk $0xffff, v0;
	(pc) =	sbr.rel @p0 .LBB2_4-.Ltmp1, $4  }
0x4a: {  	[tilespmem:v5+s11+$0x0] =	vst.idx.msk $0xffff, v0  }
0x4b: {  	[tilespmem:v6+s11+$0x0] =	vst.idx.msk $0xffff, v0  }
0x4c: {  	[tilespmem:v7+s11+$0x0] =	vst.idx.msk $0xffff, v0  }
0x4d: {  	s13 =	sadd.s32 $0x32C8, s13;
	s14 =	sadd.s32 $0x68, s14;
	[tilespmem:v8+s11+$0x0] =	vst.idx.msk $0xffff, v0  }
0x4e: {  	s12 =	sadd.s32 $0x1, s12  }
0x4f: {  	p0 =	sne.s32 s12, s6  }
.Ltmp2:
0x50: {  	_ = 	snop;
	(pc) =	sbr.rel @p0 .LBB2_1-.Ltmp2, $1  }
0x51: {  	_ =	sdelay $0x3  }
0x52: {  	_ =	sfence.sel $0x180000  }
0x53: {  	[bflag:$0x0] =	sbarrier.arrive $0xFFFF  }
0x54: {  	p0 =	sne.s32 s0, $0x0;
	_ =	strace $0x90000047  }
0x55: {  	s0 =	sadd.s32 @!p0 $0x100000, s1;
	[bflag:$0x2] =	sbarrier.arrive $0xFFFF  }
0x56: {  	[sflag:s0] =	ssyncadd.tile.s32 @!p0 $0x1;
	_ =	shalt  }
.Lfunc_end2:
_tile_overlayer_lowered:
.L_overlay_start_2:
0x57: {  	(tag) =	ssettag $0x2  }
0x58: {  	s0 =	rddreg [dreg:$0x0];
	s2 =	stileid.u32  }
0x59: {  	s1 =	rddreg [dreg:$0x1];
	p0 =	sne.s32 s2, $0x0  }
0x5a: {  	s3 =	rddreg [dreg:$0x2];
	[bflag:$0x3] =	sbarrier.arrive $0xFFFF;
	s2 =	simm.s32 @!p0 $0x1C01  }
0x5b: {  	[timem:s3], [sflag:s2] =	dma.local @!p0 [hbm:s0], s1  }
0x5c: {  	s0 =	simm.s32 @!p0 $0x1  }
0x5d: {  	_ =	swait.ge @!p0 [sflag:s0], s1  }
0x5e: {  	s1 =	ssub.s32 @!p0 $0x0, s1;
	[sflag:s0] =	ssyncset.done @!p0 $0x0  }
0x5f: {  	[sflag:s0] =	ssyncadd.s32 @!p0 s1  }
0x60: {  	[bflag:$0x3] =	sbarrier.arrive $0xFFFF  }
0x61: {  	_ =	shalt  }

// kernel: sparse-core-data-format-call.cloned.1.call-start
scs
called_computation_lowered:
.L_overlay_start_0:
0x0: {  	s2 =	sld [smem:$0x3FD9]  }
0x1: {  	s3 =	sld [smem:$0x3FFE];
	_ =	sdelay $0x1  }
0x2: {  	s1 =	srdreg.scid  }
0x3: {  	s0 =	sand.u32 $0x1, s1  }
0x4: {  	s18 =	sshll.u32 s0, $0xA;
	s2 =	sadd.s32 s3, s2  }
0x5: {  	s2 =	sadd.s32 s2, s18  }
0x6: {  	[smem:$0x3FC7] =	sst s2  }
0x7: {  	_ = 	snop  }
0x8: {  	s2 =	sld [smem:$0x3FD0];
	(tm) =	ssettm $0x1  }
0x9: {  	s19 =	sld [smem:$0x3FFB];
	_ =	sdelay $0x3  }
0xa: {  	_ =	strace s19  }
0xb: {  	s3 =	sld [smem:$0x3FFC];
	_ =	sdelay $0x3  }
0xc: {  	_ =	strace s3  }
0xd: {  	s3 =	sld [smem:$0x3FFD];
	_ =	sdelay $0x3  }
0xe: {  	_ =	strace s3  }
0xf: {  	_ =	strace $0x8FFFFFFF  }
0x10: {  	s20 =	sld [smem:$0x3FDB];
	_ =	sdelay $0x1  }
0x11: {  	s4 =	simm.s32 $_scs_section_size  }
0x12: {  	s5 =	simm.s32 $_size__tile_overlayer_lowered;
	s6 =	simm.s32 $_tile_overlayer_lowered  }
0x13: {  	s23 =	simm.s32 $0x1BFF;
	s22 =	sshll.u32 s6, $0x1;
	s3 =	sadd.s32 s4, s20  }
0x14: {  	s7 =	simm.s32 $0x0;
	s21 =	sshll.u32 s5, $0x1;
	s5 =	sadd.s32 s22, s3  }
0x15: {  	[timem:s7], [sflag:s23] =	dma.local [hbm:s5], s21  }
0x16: {  	_ =	swait.ge [sflag:s23], s21  }
0x17: {  	s4 =	ssub.s32 $0x0, s21;
	[sflag:s23] =	ssyncset.done $0x0  }
0x18: {  	[sflag:s23] =	ssyncadd.s32 s4;
	_ =	sdelay $0x1  }
0x19: {  	s24 =	simm.s32 $0x1B8B  }
0x1a: {  	_ =	swait.ge [sflag:s24], $0x1  }
0x1b: {  	[sflag:s24] =	ssyncset.done $0x0  }
0x1c: {  	s26 =	simm.s32 $0x1B8E;
	s25 =	sld [smem:$0x3FFE];
	[sflag:s24] =	ssyncadd.s32 $0xFFFFFFFF  }
0x1d: {  	s27 =	simm.s32 $execute0_lowered;
	[smem:$0x3FD2] =	sst s26  }
0x1e: {  	s5 =	sshll.u32 s27, $0x1;
	_ =	strace $0x80000049;
	[dreg:$0x1] =	wrdreg $0xFFFFFFFF  }
0x1f: {  	s28 =	simm.s32 $_size_execute0_lowered;
	s3 =	sadd.s32 s3, s5;
	[dreg:$0x0] =	wrdreg $0x0  }
0x20: {  	s5 =	sshll.u32 s28, $0x1;
	[dreg:$0x2] =	wrdreg s3  }
0x21: {  	[dreg:$0x3] =	wrdreg s5  }
0x22: {  	[dreg:$0x4] =	wrdreg $0xC0  }
0x23: {  	_ =	task [dreg:s7], $0x5FFFF  }
0x24: {  	[dreg:$0x1] =	wrdreg $0xFFFFFFFF  }
0x25: {  	[dreg:$0x0] =	wrdreg $0x60  }
0x26: {  	[dreg:$0x2] =	wrdreg s25  }
0x27: {  	[dreg:$0x3] =	wrdreg s2  }
0x28: {  	[dreg:$0x4] =	wrdreg $0x9  }
0x29: {  	_ =	task.clear_ibuf [dreg:s7], $0x5FFFF;
	_ =	strace $0x90000049  }
0x2a: {  	s29 =	simm.s32 $0x9;
	_ =	strace $0x8000004B  }
0x2b: {  	_ =	swait.ge [sflag:s29], $0x1  }
0x2c: {  	[sflag:s29] =	ssyncadd.s32 $0xFFFFFFFF  }
0x2d: {  	_ =	strace $0x9000004B  }
0x2e: {  	_ =	sfence  }
0x2f: {  	s30 =	sld [smem:$0x0];
	_ =	sdelay $0x2  }
0x30: {  	s31 =	sshll.u32 s1, $0xD;
	s1 =	sshrl.u32 s1, $0x2  }
0x31: {  	s3 =	sand.u32 $0x4000, s31;
	s1 =	sadd.s32 s1, s30  }
0x32: {  	s0 =	sor.u32 s3, s0;
	s1 =	sshll.u32 s1, $0x11  }
0x33: {  	s0 =	sor.u32 s1, s0  }
0x34: {  	s0 =	sadd.s32 $0x8F2B, s0  }
0x35: {  	[sflag:s0] =	ssyncadd.remote.s32 $0x1  }
0x36: {  	_ =	sfence.sel $0xFFFF  }
0x37: {  	[dreg:$0x0] =	wrdreg $0xFFFFFFFF;
	(pc) =	sbr.abs _section_cstart, $3  }
0x38: {  	[dreg:$0x1] =	wrdreg $0xFFFFFFFF  }
0x39: {  	_ =	task.clear_ibuf [dreg:s7], $0x2FFFF;
	_ =	strace $0x9FFFFFFF  }
0x3a: {  	(tm) =	ssettm $0x7FFFFFFF  }
0x3b: {  	_ =	shalt  }
tec
execute0_lowered:
.L_overlay_start_1:
0x0: {  	(tag) =	ssettag $0x1  }
0x1: {  	s0 =	srdreg.scid  }
0x2: {  	s1 =	sshll.u32 s0, $0x4  }
0x3: {  	s6 =	rddreg [dreg:$0x0];
	s0 =	stileid.u32;
	s1 =	sand.u32 $0x10, s1  }
0x4: {  	s3 =	rddreg [dreg:$0x1];
	s1 =	sor.u32 s0, s1  }
0x5: {  	s5 =	simm.s32 $0x1;
	s31 =	simm.s32 $0x2;
	s2 =	sshll.u32 s1, $0x7  }
0x6: {  	s15 =	simm.s32 $0x0;
	s8 =	simm.s32 $0x8000;
	s4 =	ssub.s32 $0x1000, s2  }
0x7: {  	s14 =	simm.s32 $0x0;
	s9 =	simm.s32 $0x0;
	s30 =	sand.u32 $0xF80, s4  }
0x8: {  	s10 =	simm.s32 $0x0;
	s11 =	simm.s32 $0x0;
	p0 =	sne.s32 s30, $0x0  }
.Ltmp0:
0x9: {  	s7 =	sshrl.u32 s4, $0xC;
	s5 =	simm.s32 @!p0 $0x0;
	(pc) =	sbr.rel .LBB1_1-.Ltmp0, $4  }
0xa: {  	s13 =	simm.s32 $0x0;
	s1 =	rddreg [dreg:$0x2];
	s5 =	sadd.s32 s5, s7  }
0xb: {  	_ =	strace $0x8000004A;
	s4 =	simm.s32 $0x1;
	s5 =	smul.u32 $0xCC, s5  }
0xc: {  	s6 =	sadd.s32 $0x800, s6;
	s12 =	smov.u32 s2;
	[sflag:s4] =	ssyncpa.u1 $0x0  }
0xd: {  	[sflag:s31] =	ssyncpa.u1 $0x0;
	p0 =	por $0x0, $0x0;
	s7 =	sor.u32 $0x1, s5  }
.LBB1_4:
0xe: {  	s20 =	sshra.s32 s20, $0x2;
	s27 =	sshll.u32 s9, $0xC  }
0xf: {  	s21 =	sand.u32 $0x78, s10;
	s22 =	sshll.u32 s10, $0x3;
	s24 =	sshll.u32 s9, $0x7  }
0x10: {  	p1 =	sgt.s32 s9, $0x6510;
	s30 =	sshra.s32 s9, $0x1F;
	s25 =	sshra.s32 s10, $0x1F  }
0x11: {  	s19 =	sadd.s32 s20, s19;
	s20 =	sand.u32 $0xFFFF8000, s27;
	s23 =	sand.u32 $0xFFFFFC00, s22  }
0x12: {  	v5 =	vld [tilespmem:s17+$0xFFFFFFD0];
	[tilespmem:s18+$0x2040 ss:$0x81] =	vst.msk $0xffff, v4;
	s22 =	sand.u32 $0xC00, s22;
	s28 =	sand.u32 $0x380, s24;
	s31 =	sand.u32 s30, s9  }
0x13: {  	v58 =	vld [tilespmem:s17+$0xFFFFFFE0];
	[tilespmem:s18+$0x2850 ss:$0x81] =	vst.msk $0xffff, v3;
	s24 =	smov.u32 s10;
	s25 =	sand.u32 s25, s10;
	s21 =	sor.u32 s21, s22  }
0x14: {  	v59 =	vld [tilespmem:s17+$0xFFFFFFF0];
	[tilespmem:s18+$0x3060 ss:$0x81] =	vst.msk $0xffff, v2;
	s20 =	sadd.s32 s23, s20;
	s22 =	smov.u32 s9;
	s21 =	sor.u32 s28, s21  }
0x15: {  	v60 =	vld [tilespmem:s17+$0x0];
	[tilespmem:s18+$0x0 ss:$0x81] =	vst.msk $0xffff, v1;
	s20 =	sshrl.u32 s20, $0xC;
	s22 =	simm.s32 @!p1 $0x6510;
	p1 =	sgt.s32 s10, $0xF80  }
0x16: {  	v61 =	vld [tilespmem:s17+$0x10];
	[tilespmem:s19+$0x3870 ss:$0x81] =	vst.msk $0xffff, v0;
	s29 =	smulhi.u32 $0x142A39, s20;
	s18 =	ssub.s32 s22, s31;
	s24 =	simm.s32 @!p1 $0xF80  }
0x17: {  	v62 =	vld [tilespmem:s17+$0x20];
	[tilespmem:s19+$0x810 ss:$0x81] =	vst.msk $0xffff, v5;
	s22 =	ssub.s32 s24, s25;
	s26 =	sadd.s32 $0xFFFF9AF0, s18;
	s18 =	ssub.s32 $0x6590, s18  }
0x18: {  	v63 =	vld [tilespmem:s17+$0xFFFFFFC0];
	[tilespmem:s19+$0x1020 ss:$0x81] =	vst.msk $0xffff, v58;
	s23 =	sshrl.u32 s29, $0x3;
	p1 =	sgt.s32 s26, $0x7F;
	s28 =	sadd.s32 $0xFFFFF080, s22  }
0x19: {  	[tilespmem:s19+$0x1830 ss:$0x81] =	vst.msk $0xffff, v59;
	s22 =	ssub.s32 $0x1000, s22;
	s27 =	smul.u32 $0x6590, s23;
	p2 =	sgt.s32 s28, $0x7F  }
0x1a: {  	s30 =	sand.u32 $0x7, s10;
	[tilespmem:s19+$0x2040 ss:$0x81] =	vst.msk $0xffff, v60;
	s18 =	simm.s32 @p1 $0x0;
	s22 =	simm.s32 @p2 $0x0  }
0x1b: {  	[tilespmem:s19+$0x2850 ss:$0x81] =	vst.msk $0xffff, v61;
	s29 =	sshrl.u32 s21, $0x3;
	s17 =	ssub.s32 s20, s27;
	s18 =	smul.u32 s22, s18  }
0x1c: {  	[tilespmem:s19+$0x3060 ss:$0x81] =	vst.msk $0xffff, v62;
	s21 =	sshll.u32 s30, $0x12;
	s20 =	sadd.s32 s3, s29;
	s17 =	sshll.u32 s17, $0x9  }
0x1d: {  	[tilespmem:s19+$0x0 ss:$0x81] =	vst.msk $0xffff, v63;
	s31 =	sor.u32 $0x400, s21;
	s18 =	sand.u32 $0x3FFFFFFF, s18;
	s17 =	sadd.s32 s17, s20  }
0x1e: {  	[hbm4b:s17+s31] =	stream.strided.scatter [tilespmem:s16], [sflag:$0x2], s18, s8, s31, $0x20;
	[tilespmem:$0x10100] =	vst v63  }
.LBB1_5:
0x1f: {  	p1 =	slt.u32 s13, $0x2  }
0x20: {  	s17 =	smov.u32 s15;
	p2 =	sgt.s32 @!p1 s15, $0x6510;
	s16 =	sshra.s32 @!p1 s15, $0x1F  }
0x21: {  	p3 =	sgt.s32 @!p1 s14, $0xF80;
	s18 =	sshra.s32 @!p1 s14, $0x1F;
	p2 =	por !p2, p1  }
0x22: {  	s15 =	sand.u32 @!p1 s16, s15;
	p3 =	por !p3, p1;
	s16 =	smov.u32 s14  }
0x23: {  	s14 =	sand.u32 @!p1 s18, s14;
	s17 =	simm.s32 @p2 $0x6510;
	s16 =	simm.s32 @p3 $0xF80  }
0x24: {  	s15 =	ssub.s32 @!p1 s17, s15;
	s14 =	ssub.s32 @!p1 s16, s14  }
0x25: {  	s18 =	smov.u32 s12;
	s16 =	sadd.s32 @!p1 $0xFFFF9AF0, s15;
	s17 =	sadd.s32 @!p1 $0xFFFFF080, s14  }
0x26: {  	s15 =	ssub.s32 @!p1 $0x6590, s15;
	p2 =	sgt.s32 @!p1 s16, $0x7F;
	p3 =	sgt.s32 @!p1 s17, $0x7F  }
0x27: {  	s14 =	ssub.s32 @!p1 $0x1000, s14;
	p2 =	por !p2, p1;
	p3 =	por !p3, p1  }
0x28: {  	s16 =	sadd.s32 $0x80, s11;
	s15 =	simm.s32 @!p2 $0x0;
	s14 =	simm.s32 @!p3 $0x0  }
0x29: {  	p2 =	sgt.s32 s16, $0x658F;
	s14 =	smul.u32 @!p1 s14, s15;
	s15 =	sadd.s32 $0x1000, s12  }
0x2a: {  	s18 =	smov.u32 @p2 s15  }
0x2b: {  	s16 =	simm.s32 @p2 $0x0;
	p2 =	sgt.s32 s18, $0xFFF  }
0x2c: {  	s18 =	smov.u32 @p2 s2;
	p2 =	sne.s32 s13, s7  }
.Ltmp1:
0x2d: {  	p0 =	por !p0, !p0;
	s17 =	simm.s32 @!p1 $0x2;
	(pc) =	sbr.rel @!p2 .LBB1_6-.Ltmp1, $4  }
0x2e: {  	s15 =	smov.u32 s9;
	s9 =	smov.u32 s11;
	s14 =	sand.u32 @!p1 $0x3FFFFFFF, s14  }
0x2f: {  	s11 =	smov.u32 s16;
	_ =	swait.ge @!p1 [sflag:s17], s14;
	s19 =	ssub.s32 @!p1 $0x0, s14  }
0x30: {  	s14 =	smov.u32 s10;
	s13 =	sadd.s32 $0x1, s13;
	[sflag:s17] =	ssyncset.done @!p1 $0x0  }
0x31: {  	s10 =	smov.u32 s12;
	s12 =	smov.u32 s18;
	[sflag:s17] =	ssyncadd.s32 @!p1 s19  }
.LBB1_1:
0x32: {  	p1 =	sge.u32 s13, s5  }
0x33: {  	s16 =	sshrl.u32 @!p1 s12, $0x3  }
0x34: {  	s17 =	sshll.u32 @!p1 s11, $0x3;
	s16 =	smul.u32 @!p1 $0x33000, s16  }
0x35: {  	s18 =	sshll.u32 @!p1 s12, $0x7;
	s17 =	sand.u32 @!p1 $0xFFFFFC00, s17  }
0x36: {  	s16 =	sadd.s32 @!p1 s16, s17;
	s17 =	sand.u32 @!p1 $0x380, s18  }
0x37: {  	s18 =	sand.u32 @!p1 $0x7F, s11;
	s16 =	sor.u32 @!p1 s17, s16  }
0x38: {  	s17 =	sor.u32 @!p1 s18, s16  }
0x39: {  	s18 =	smulhi.u32 @!p1 $0xA0A0A0A1, s17;
	_ =	sdelay $0x1  }
0x3a: {  	s16 =	smulhi.u32 @!p1 $0xA0A0A0A1, s16;
	s18 =	sshrl.u32 @!p1 s18, $0xE  }
0x3b: {  	s18 =	smul.u32 @!p1 $0x6600, s18  }
0x3c: {  	s31 =	sadd.s32 $0xFFFFFFFF, s13;
	s19 =	sxor.u32 @!p1 $0xFFFFFFFF, s13;
	s16 =	sshrl.u32 @!p1 s16, $0xE  }
0x3d: {  	s19 =	sshll.u32 @!p1 s19, $0xE;
	s16 =	sand.u32 @!p1 $0xFFF, s16;
	s17 =	ssub.s32 @!p1 s17, s18  }
0x3e: {  	s16 =	smul.u32 @!p1 $0xCC0, s16;
	s18 =	sshrl.u32 @!p1 s17, $0x3;
	s17 =	sand.u32 @!p1 $0x7, s17  }
0x3f: {  	s19 =	sand.u32 @!p1 $0x4000, s19;
	s18 =	sadd.s32 @!p1 s6, s18;
	s17 =	sshll.u32 @!p1 s17, $0x12  }
0x40: {  	s16 =	sadd.s32 @!p1 s16, s18;
	s17 =	sor.u32 @!p1 $0x400, s17;
	s18 =	simm.s32 @!p1 $0x33000  }
0x41: {  	[tilespmem:s19], [sflag:$0x1] =	stream.strided.gather @!p1 [hbm4b:s16+s17], $0x4000, s18, s17, $0x38;
	[tilespmem:$0x10100] =	vst v63  }
0x42: {  	p1 =	sge.u32 s31, s5  }
.Ltmp2:
0x43: {  	_ = 	snop;
	(pc) =	sbr.rel @p1 .LBB1_5-.Ltmp2, $1  }
0x44: {  	_ =	sdelay $0x3  }
0x45: {  	s16 =	simm.s32 $0x1  }
0x46: {  	_ =	swait.ge [sflag:s4], $0x4000;
	s16 =	simm.s32 @!p0 $0x0  }
0x47: {  	[sflag:s4] =	ssyncset.done $0x0;
	s17 =	sshll.u32 s16, $0xE  }
0x48: {  	[sflag:s4] =	ssyncadd.s32 $0xFFFFC000;
	s17 =	sor.u32 $0x40, s17  }
0x49: {  	s16 =	smul.u32 $0x10200, s16;
	v0 =	vld [tilespmem:s17+$0x30]  }
0x4a: {  	v1 =	vld [tilespmem:s17+$0xFFFFFFD0]  }
0x4b: {  	s16 =	sshrl.u32 s16, $0x2;
	v5 =	vld [tilespmem:s17+$0xFFFFFFE0]  }
0x4c: {  	v6 =	vld [tilespmem:s17+$0xFFFFFFF0];
	s19 =	sor.u32 $0x8000, s16  }
0x4d: {  	s31 =	sand.u32 $0x1, s13;
	v4 =	vld [tilespmem:s17+$0x0];
	s18 =	sadd.s32 $0x0, s19  }
0x4e: {  	v3 =	vld [tilespmem:s17+$0x10];
	s16 =	smul.u32 $0x10200, s31;
	[tilespmem:s18+$0x3870 ss:$0x81] =	vst.msk $0xffff, v0  }
0x4f: {  	v2 =	vld [tilespmem:s17+$0x20];
	[tilespmem:s18+$0x810 ss:$0x81] =	vst.msk $0xffff, v1  }
0x50: {  	s16 =	sshrl.u32 s16, $0x2;
	v1 =	vld [tilespmem:s17+$0xFFFFFFC0];
	[tilespmem:s18+$0x1020 ss:$0x81] =	vst.msk $0xffff, v5;
	s17 =	sadd.s32 $0x80, s17  }
0x51: {  	s20 =	simm.s32 $0x4;
	s21 =	simm.s32 $0x8;
	s16 =	sor.u32 $0x8000, s16;
	[tilespmem:s18+$0x1830 ss:$0x81] =	vst.msk $0xffff, v6;
	v0 =	vld [tilespmem:s17+$0x30]  }
.LBB1_3:
0x52: {  	p1 =	sne.s32 s21, $0x1FC;
	v5 =	vld [tilespmem:s17+$0xFFFFFFD0];
	[tilespmem:s18+$0x2040 ss:$0x81] =	vst.msk $0xffff, v4  }
0x53: {  	v6 =	vld [tilespmem:s17+$0xFFFFFFE0];
	[tilespmem:s18+$0x2850 ss:$0x81] =	vst.msk $0xffff, v3  }
0x54: {  	s22 =	sshra.s32 s20, $0x2;
	s20 =	smov.u32 s21;
	v7 =	vld [tilespmem:s17+$0xFFFFFFF0];
	[tilespmem:s18+$0x3060 ss:$0x81] =	vst.msk $0xffff, v2  }
.Ltmp3:
0x55: {  	v4 =	vld [tilespmem:s17+$0x0];
	[tilespmem:s18+$0x0 ss:$0x81] =	vst.msk $0xffff, v1;
	s18 =	sadd.s32 s22, s19;
	(pc) =	sbr.rel @p1 .LBB1_3-.Ltmp3, $4  }
0x56: {  	v3 =	vld [tilespmem:s17+$0x10];
	[tilespmem:s18+$0x3870 ss:$0x81] =	vst.msk $0xffff, v0  }
0x57: {  	[tilespmem:s18+$0x810 ss:$0x81] =	vst.msk $0xffff, v5;
	v2 =	vld [tilespmem:s17+$0x20]  }
0x58: {  	v1 =	vld [tilespmem:s17+$0xFFFFFFC0];
	[tilespmem:s18+$0x1020 ss:$0x81] =	vst.msk $0xffff, v6;
	s17 =	sadd.s32 $0x80, s17  }
0x59: {  	s21 =	sadd.s32 $0x4, s21;
	v0 =	vld [tilespmem:s17+$0x30];
	[tilespmem:s18+$0x1830 ss:$0x81] =	vst.msk $0xffff, v7  }
.Ltmp4:
0x5a: {  	_ = 	snop;
	(pc) =	sbr.rel .LBB1_4-.Ltmp4, $1  }
0x5b: {  	_ =	sdelay $0x3  }
.LBB1_6:
0x5c: {  	_ =	sfence.sel $0x180000  }
0x5d: {  	s2 =	simm.s32 $0x1;
	[bflag:$0x0] =	sbarrier.arrive $0xFFFF  }
0x5e: {  	s31 =	simm.s32 $0x2;
	[sflag:s2] =	ssyncpa.u1 $0x1  }
0x5f: {  	[sflag:s31] =	ssyncpa.u1 $0x1  }
0x60: {  	p0 =	sne.s32 s0, $0x0;
	_ =	strace $0x9000004A  }
0x61: {  	s0 =	sadd.s32 @!p0 $0x100000, s1;
	[bflag:$0x2] =	sbarrier.arrive $0xFFFF  }
0x62: {  	[sflag:s0] =	ssyncadd.tile.s32 @!p0 $0x1;
	_ =	shalt  }
.Lfunc_end1:
_tile_overlayer_lowered:
.L_overlay_start_2:
0x63: {  	(tag) =	ssettag $0x2  }
0x64: {  	s0 =	rddreg [dreg:$0x0];
	s2 =	stileid.u32  }
0x65: {  	s1 =	rddreg [dreg:$0x1];
	p0 =	sne.s32 s2, $0x0  }
0x66: {  	s3 =	rddreg [dreg:$0x2];
	[bflag:$0x3] =	sbarrier.arrive $0xFFFF;
	s2 =	simm.s32 @!p0 $0x1C01  }
0x67: {  	[timem:s3], [sflag:s2] =	dma.local @!p0 [hbm:s0], s1  }
0x68: {  	s0 =	simm.s32 @!p0 $0x1  }
0x69: {  	_ =	swait.ge @!p0 [sflag:s0], s1  }
0x6a: {  	s1 =	ssub.s32 @!p0 $0x0, s1;
	[sflag:s0] =	ssyncset.done @!p0 $0x0  }
0x6b: {  	[sflag:s0] =	ssyncadd.s32 @!p0 s1  }
0x6c: {  	[bflag:$0x3] =	sbarrier.arrive $0xFFFF  }
0x6d: {  	_ =	shalt  }

</sc_bundles>
